<compile_context>
chip_gen: v7x
topology: tpu7x:2x2x1
jax: 0.10.2.dev20260603
libtpu: 0.0.44.dev20260713+nightly
codegen_flags: <defaults>
</compile_context>

<pallas_src>
import functools

import jax
import jax.numpy as jnp
from jax import lax
from jax.experimental import pallas as pl
from jax.experimental.pallas import tpu as pltpu
from jax.experimental.pallas import tpu_sc as plsc

D_MODEL = 128
B_TOTAL = 4096 * 200
NUM_CORES = 2
NUM_SUBCORES = 16
NW = NUM_CORES * NUM_SUBCORES
BPW = B_TOTAL // NW
CHUNK = 400
NCHUNK = BPW // CHUNK
NBUF = 2
LOOKAHEAD = 1
P = NCHUNK // NBUF


@functools.partial(
    pl.kernel,
    mesh=plsc.VectorSubcoreMesh(core_axis_name="c", subcore_axis_name="s"),
    out_type=jax.ShapeDtypeStruct((B_TOTAL, D_MODEL), jnp.float32),
    scratch_types=[
        pltpu.VMEM((BPW,), jnp.int32),
        pltpu.VMEM((NBUF, CHUNK, D_MODEL), jnp.float32),
    ]
    + [pltpu.SemaphoreType.DMA] * (2 * NBUF),
)
def _gather_kernel(idx_hbm, table_hbm, out_hbm, idx_v, rows_v, *sems):
    sg = sems[:NBUF]
    ss = sems[NBUF:]
    wid = lax.axis_index("s") * NUM_CORES + lax.axis_index("c")
    base = wid * BPW
    pltpu.sync_copy(idx_hbm.at[pl.ds(base, BPW)], idx_v)

    def issue_gather(j, u):
        pltpu.async_copy(
            table_hbm.at[idx_v.at[pl.ds(j * CHUNK, CHUNK)]],
            rows_v.at[u], sg[u])

    def wait_gather(u):
        pltpu.make_async_copy(
            table_hbm.at[pl.ds(0, CHUNK)], rows_v.at[u], sg[u]).wait()

    def issue_store(i, u):
        pltpu.async_copy(
            rows_v.at[u], out_hbm.at[pl.ds(base + i * CHUNK, CHUNK)], ss[u])

    def wait_store(u):
        pltpu.make_async_copy(
            table_hbm.at[pl.ds(0, CHUNK)], rows_v.at[u], ss[u]).wait()

    def step(i, u, with_gather=True, with_store_wait=True):
        wait_gather(u)
        issue_store(i, u)
        if with_gather:
            bj = (u + LOOKAHEAD) % NBUF
            if with_store_wait:
                wait_store(bj)
            issue_gather(i + LOOKAHEAD, bj)

    for u in range(LOOKAHEAD):
        issue_gather(u, u)

    for u in range(NBUF):
        step(u, u, with_store_wait=(u + LOOKAHEAD >= NBUF))

    def body(p, carry):
        i0 = p * NBUF
        for u in range(NBUF):
            step(i0 + u, u)
        return carry

    lax.fori_loop(1, P - 1, body, 0)

    iN = NCHUNK - NBUF
    for u in range(NBUF):
        step(iN + u, u, with_gather=(u + LOOKAHEAD < NBUF))

    for u in range(NBUF):
        wait_store(u)


def kernel(x, weight):
    idx = x.reshape(-1).astype(jnp.int32)
    out = _gather_kernel(idx, weight)
    return out.reshape(x.shape + (weight.shape[1],))

# --- scband reference (transcript-rebuilt; emitter-appended) ---
"""Pipeline reference for scband-embedding-12395275616311 (READ-ONLY COPY).

The authoritative reference and input builder live on the scoring server;
editing this copy changes nothing except your own understanding.
"""

import jax, jax.numpy as jnp
import numpy as np

VOCAB_SIZE = 100000
D_MODEL = 128

def setup_inputs(seed: int = 0) -> dict:
    key = jax.random.key(seed)
    k1, k2 = jax.random.split(key)
    x = jax.random.randint(k1, (4096, 200), 0, VOCAB_SIZE, dtype=jnp.int64)
    # nn.Embedding default init: N(0, 1)
    weight = jax.random.normal(k2, (VOCAB_SIZE, D_MODEL), dtype=jnp.float32)
    return {"x": x, "weight": weight}

def reference(x, weight):
    # Faithful translation of nn.Embedding forward: gather rows of weight by index
    return jnp.take(weight, x, axis=0)

if __name__ == "__main__":
    import jax
    _d = setup_inputs()
    print(jax.jit(kernel)(*tuple(_d.values())))

</pallas_src>

<mosaic_0001>
#map = affine_map<(d0, d1) -> (0)>
#map1 = affine_map<(d0, d1) -> (0, 0)>
module attributes {stable_mosaic.version = 14 : i64} {
  func.func @_gather_kernel(%arg0: i32, %arg1: i32, %arg2: memref<819200xi32, #tpu.memory_space<hbm>>, %arg3: memref<100000x128xf32, #tpu.memory_space<hbm>>, %arg4: memref<819200x128xf32, #tpu.memory_space<hbm>>, %arg5: memref<25600xi32, #tpu.memory_space<vmem>>, %arg6: memref<2x400x128xf32, #tpu.memory_space<vmem>>, %arg7: memref<!tpu.dma_semaphore, #tpu.memory_space<semaphore_mem>>, %arg8: memref<!tpu.dma_semaphore, #tpu.memory_space<semaphore_mem>>, %arg9: memref<!tpu.dma_semaphore, #tpu.memory_space<semaphore_mem>>, %arg10: memref<!tpu.dma_semaphore, #tpu.memory_space<semaphore_mem>>) attributes {dimension_semantics = [#tpu.dimension_semantics<core_parallel>, #tpu.dimension_semantics<subcore_parallel>], iteration_bounds = array<i64: 2, 16>, scalar_prefetch = 0 : i64, scratch_operands = 6 : i64, tpu.core_type = #tpu.core_type<sc_vector_subcore>, window_params = [{transform_indices = #map}, {transform_indices = #map1}, {transform_indices = #map1}]} {
    %mul3A = arith.constant 2 : i32
    %mul3A_0 = arith.muli %arg1, %mul3A : i32
    %add3A = arith.addi %mul3A_0, %arg0 : i32
    %mul3A_1 = arith.constant 25600 : i32
    %mul3A_2 = arith.muli %add3A, %mul3A_1 : i32
    "tpu.region"() ({
      %run_scoped3A = tpu.sem_alloc : memref<!tpu.dma_semaphore, #tpu.memory_space<semaphore_mem>>
      %dma_start3A_226 = tpu.memref_slice %arg2[%mul3A_2] : memref<819200xi32, #tpu.memory_space<hbm>> -> memref<25600xi32, #tpu.memory_space<hbm>>
      %dma_start3A_227 = tpu.memref_slice %arg2[%mul3A_2] : memref<819200xi32, #tpu.memory_space<hbm>> -> memref<25600xi32, #tpu.memory_space<hbm>>
      tpu.enqueue_dma source(%dma_start3A_227 : memref<25600xi32, #tpu.memory_space<hbm>>) target(%arg5 : memref<25600xi32, #tpu.memory_space<vmem>>) target_semaphore(%run_scoped3A : memref<!tpu.dma_semaphore, #tpu.memory_space<semaphore_mem>>)
      %dma_wait3A_228 = tpu.memref_slice %arg2[%mul3A_2] : memref<819200xi32, #tpu.memory_space<hbm>> -> memref<25600xi32, #tpu.memory_space<hbm>>
      %dma_wait3A_229 = tpu.memref_slice %arg2[%mul3A_2] : memref<819200xi32, #tpu.memory_space<hbm>> -> memref<25600xi32, #tpu.memory_space<hbm>>
      tpu.wait_dma2 semaphore(%run_scoped3A : memref<!tpu.dma_semaphore, #tpu.memory_space<semaphore_mem>>) src(%dma_wait3A_229 : memref<25600xi32, #tpu.memory_space<hbm>>) dst(%arg5 : memref<25600xi32, #tpu.memory_space<vmem>>)
      tpu.yield
    }) : () -> ()
    %dma_start3A = arith.constant 0 : i32
    %dma_start3A_3 = arith.constant 0 : i32
    %dma_start3A_4 = arith.constant 0 : i32
    %dma_start3A_5 = tpu.memref_slice %arg6[%dma_start3A, %dma_start3A_3, %dma_start3A_4] : memref<2x400x128xf32, #tpu.memory_space<vmem>> -> memref<1x400x128xf32, #tpu.memory_space<vmem>>
    %dma_start3A_6 = tpu.memref_squeeze %dma_start3A_5 : memref<1x400x128xf32, #tpu.memory_space<vmem>> -> memref<400x128xf32, #tpu.memory_space<vmem>>
    %dma_start3A_7 = arith.constant 0 : i32
    %dma_start3A_8 = tpu.memref_slice %arg5[%dma_start3A_7] : memref<25600xi32, #tpu.memory_space<vmem>> -> memref<400xi32, #tpu.memory_space<vmem>>
    %dma_start3A_9 = arith.constant 0 : i32
    %dma_start3A_10 = arith.constant 0 : i32
    %dma_start3A_11 = tpu.memref_slice %arg3[%dma_start3A_9, %dma_start3A_10] : memref<100000x128xf32, #tpu.memory_space<hbm>> -> memref<100000x128xf32, #tpu.memory_space<hbm>>
    tpu.enqueue_indirect_dma source(%dma_start3A_11 : memref<100000x128xf32, #tpu.memory_space<hbm>>) target(%dma_start3A_6 : memref<400x128xf32, #tpu.memory_space<vmem>>) offsets(%dma_start3A_8 : memref<400xi32, #tpu.memory_space<vmem>>) semaphore(%arg7 : memref<!tpu.dma_semaphore, #tpu.memory_space<semaphore_mem>>)
    %dma_wait3A = arith.constant 0 : i32
    %dma_wait3A_12 = arith.constant 0 : i32
    %dma_wait3A_13 = arith.constant 0 : i32
    %dma_wait3A_14 = tpu.memref_slice %arg6[%dma_wait3A, %dma_wait3A_12, %dma_wait3A_13] : memref<2x400x128xf32, #tpu.memory_space<vmem>> -> memref<1x400x128xf32, #tpu.memory_space<vmem>>
    %dma_wait3A_15 = tpu.memref_squeeze %dma_wait3A_14 : memref<1x400x128xf32, #tpu.memory_space<vmem>> -> memref<400x128xf32, #tpu.memory_space<vmem>>
    %dma_wait3A_16 = arith.constant 0 : i32
    %dma_wait3A_17 = arith.constant 0 : i32
    %dma_wait3A_18 = tpu.memref_slice %arg3[%dma_wait3A_16, %dma_wait3A_17] : memref<100000x128xf32, #tpu.memory_space<hbm>> -> memref<400x128xf32, #tpu.memory_space<hbm>>
    %dma_wait3A_19 = arith.constant 0 : i32
    %dma_wait3A_20 = arith.constant 0 : i32
    %dma_wait3A_21 = tpu.memref_slice %arg6[%dma_wait3A, %dma_wait3A_19, %dma_wait3A_20] : memref<2x400x128xf32, #tpu.memory_space<vmem>> -> memref<1x400x128xf32, #tpu.memory_space<vmem>>
    %dma_wait3A_22 = tpu.memref_squeeze %dma_wait3A_21 : memref<1x400x128xf32, #tpu.memory_space<vmem>> -> memref<400x128xf32, #tpu.memory_space<vmem>>
    %dma_wait3A_23 = arith.constant 0 : i32
    %dma_wait3A_24 = arith.constant 0 : i32
    %dma_wait3A_25 = tpu.memref_slice %arg3[%dma_wait3A_23, %dma_wait3A_24] : memref<100000x128xf32, #tpu.memory_space<hbm>> -> memref<400x128xf32, #tpu.memory_space<hbm>>
    tpu.wait_dma2 semaphore(%arg7 : memref<!tpu.dma_semaphore, #tpu.memory_space<semaphore_mem>>) src(%dma_wait3A_25 : memref<400x128xf32, #tpu.memory_space<hbm>>) dst(%dma_wait3A_22 : memref<400x128xf32, #tpu.memory_space<vmem>>)
    %add3A_26 = arith.constant 0 : i32
    %add3A_27 = arith.addi %mul3A_2, %add3A_26 : i32
    %dma_start3A_28 = arith.constant 0 : i32
    %dma_start3A_29 = arith.constant 0 : i32
    %dma_start3A_30 = arith.constant 0 : i32
    %dma_start3A_31 = tpu.memref_slice %arg6[%dma_start3A_28, %dma_start3A_29, %dma_start3A_30] : memref<2x400x128xf32, #tpu.memory_space<vmem>> -> memref<1x400x128xf32, #tpu.memory_space<vmem>>
    %dma_start3A_32 = tpu.memref_squeeze %dma_start3A_31 : memref<1x400x128xf32, #tpu.memory_space<vmem>> -> memref<400x128xf32, #tpu.memory_space<vmem>>
    %dma_start3A_33 = arith.constant 0 : i32
    %dma_start3A_34 = tpu.memref_slice %arg4[%add3A_27, %dma_start3A_33] : memref<819200x128xf32, #tpu.memory_space<hbm>> -> memref<400x128xf32, #tpu.memory_space<hbm>>
    %dma_start3A_35 = arith.constant 0 : i32
    %dma_start3A_36 = tpu.memref_slice %arg4[%add3A_27, %dma_start3A_35] : memref<819200x128xf32, #tpu.memory_space<hbm>> -> memref<400x128xf32, #tpu.memory_space<hbm>>
    %dma_start3A_37 = arith.constant 0 : i32
    %dma_start3A_38 = arith.constant 0 : i32
    %dma_start3A_39 = tpu.memref_slice %arg6[%dma_start3A_28, %dma_start3A_37, %dma_start3A_38] : memref<2x400x128xf32, #tpu.memory_space<vmem>> -> memref<1x400x128xf32, #tpu.memory_space<vmem>>
    %dma_start3A_40 = tpu.memref_squeeze %dma_start3A_39 : memref<1x400x128xf32, #tpu.memory_space<vmem>> -> memref<400x128xf32, #tpu.memory_space<vmem>>
    tpu.enqueue_dma source(%dma_start3A_40 : memref<400x128xf32, #tpu.memory_space<vmem>>) target(%dma_start3A_36 : memref<400x128xf32, #tpu.memory_space<hbm>>) target_semaphore(%arg9 : memref<!tpu.dma_semaphore, #tpu.memory_space<semaphore_mem>>)
    %dma_start3A_41 = arith.constant 1 : i32
    %dma_start3A_42 = arith.constant 0 : i32
    %dma_start3A_43 = arith.constant 0 : i32
    %dma_start3A_44 = tpu.memref_slice %arg6[%dma_start3A_41, %dma_start3A_42, %dma_start3A_43] : memref<2x400x128xf32, #tpu.memory_space<vmem>> -> memref<1x400x128xf32, #tpu.memory_space<vmem>>
    %dma_start3A_45 = tpu.memref_squeeze %dma_start3A_44 : memref<1x400x128xf32, #tpu.memory_space<vmem>> -> memref<400x128xf32, #tpu.memory_space<vmem>>
    %dma_start3A_46 = arith.constant 400 : i32
    %dma_start3A_47 = tpu.memref_slice %arg5[%dma_start3A_46] : memref<25600xi32, #tpu.memory_space<vmem>> -> memref<400xi32, #tpu.memory_space<vmem>>
    %dma_start3A_48 = arith.constant 0 : i32
    %dma_start3A_49 = arith.constant 0 : i32
    %dma_start3A_50 = tpu.memref_slice %arg3[%dma_start3A_48, %dma_start3A_49] : memref<100000x128xf32, #tpu.memory_space<hbm>> -> memref<100000x128xf32, #tpu.memory_space<hbm>>
    tpu.enqueue_indirect_dma source(%dma_start3A_50 : memref<100000x128xf32, #tpu.memory_space<hbm>>) target(%dma_start3A_45 : memref<400x128xf32, #tpu.memory_space<vmem>>) offsets(%dma_start3A_47 : memref<400xi32, #tpu.memory_space<vmem>>) semaphore(%arg8 : memref<!tpu.dma_semaphore, #tpu.memory_space<semaphore_mem>>)
    %dma_wait3A_51 = arith.constant 1 : i32
    %dma_wait3A_52 = arith.constant 0 : i32
    %dma_wait3A_53 = arith.constant 0 : i32
    %dma_wait3A_54 = tpu.memref_slice %arg6[%dma_wait3A_51, %dma_wait3A_52, %dma_wait3A_53] : memref<2x400x128xf32, #tpu.memory_space<vmem>> -> memref<1x400x128xf32, #tpu.memory_space<vmem>>
    %dma_wait3A_55 = tpu.memref_squeeze %dma_wait3A_54 : memref<1x400x128xf32, #tpu.memory_space<vmem>> -> memref<400x128xf32, #tpu.memory_space<vmem>>
    %dma_wait3A_56 = arith.constant 0 : i32
    %dma_wait3A_57 = arith.constant 0 : i32
    %dma_wait3A_58 = tpu.memref_slice %arg3[%dma_wait3A_56, %dma_wait3A_57] : memref<100000x128xf32, #tpu.memory_space<hbm>> -> memref<400x128xf32, #tpu.memory_space<hbm>>
    %dma_wait3A_59 = arith.constant 0 : i32
    %dma_wait3A_60 = arith.constant 0 : i32
    %dma_wait3A_61 = tpu.memref_slice %arg6[%dma_wait3A_51, %dma_wait3A_59, %dma_wait3A_60] : memref<2x400x128xf32, #tpu.memory_space<vmem>> -> memref<1x400x128xf32, #tpu.memory_space<vmem>>
    %dma_wait3A_62 = tpu.memref_squeeze %dma_wait3A_61 : memref<1x400x128xf32, #tpu.memory_space<vmem>> -> memref<400x128xf32, #tpu.memory_space<vmem>>
    %dma_wait3A_63 = arith.constant 0 : i32
    %dma_wait3A_64 = arith.constant 0 : i32
    %dma_wait3A_65 = tpu.memref_slice %arg3[%dma_wait3A_63, %dma_wait3A_64] : memref<100000x128xf32, #tpu.memory_space<hbm>> -> memref<400x128xf32, #tpu.memory_space<hbm>>
    tpu.wait_dma2 semaphore(%arg8 : memref<!tpu.dma_semaphore, #tpu.memory_space<semaphore_mem>>) src(%dma_wait3A_65 : memref<400x128xf32, #tpu.memory_space<hbm>>) dst(%dma_wait3A_62 : memref<400x128xf32, #tpu.memory_space<vmem>>)
    %add3A_66 = arith.constant 400 : i32
    %add3A_67 = arith.addi %mul3A_2, %add3A_66 : i32
    %dma_start3A_68 = arith.constant 1 : i32
    %dma_start3A_69 = arith.constant 0 : i32
    %dma_start3A_70 = arith.constant 0 : i32
    %dma_start3A_71 = tpu.memref_slice %arg6[%dma_start3A_68, %dma_start3A_69, %dma_start3A_70] : memref<2x400x128xf32, #tpu.memory_space<vmem>> -> memref<1x400x128xf32, #tpu.memory_space<vmem>>
    %dma_start3A_72 = tpu.memref_squeeze %dma_start3A_71 : memref<1x400x128xf32, #tpu.memory_space<vmem>> -> memref<400x128xf32, #tpu.memory_space<vmem>>
    %dma_start3A_73 = arith.constant 0 : i32
    %dma_start3A_74 = tpu.memref_slice %arg4[%add3A_67, %dma_start3A_73] : memref<819200x128xf32, #tpu.memory_space<hbm>> -> memref<400x128xf32, #tpu.memory_space<hbm>>
    %dma_start3A_75 = arith.constant 0 : i32
    %dma_start3A_76 = tpu.memref_slice %arg4[%add3A_67, %dma_start3A_75] : memref<819200x128xf32, #tpu.memory_space<hbm>> -> memref<400x128xf32, #tpu.memory_space<hbm>>
    %dma_start3A_77 = arith.constant 0 : i32
    %dma_start3A_78 = arith.constant 0 : i32
    %dma_start3A_79 = tpu.memref_slice %arg6[%dma_start3A_68, %dma_start3A_77, %dma_start3A_78] : memref<2x400x128xf32, #tpu.memory_space<vmem>> -> memref<1x400x128xf32, #tpu.memory_space<vmem>>
    %dma_start3A_80 = tpu.memref_squeeze %dma_start3A_79 : memref<1x400x128xf32, #tpu.memory_space<vmem>> -> memref<400x128xf32, #tpu.memory_space<vmem>>
    tpu.enqueue_dma source(%dma_start3A_80 : memref<400x128xf32, #tpu.memory_space<vmem>>) target(%dma_start3A_76 : memref<400x128xf32, #tpu.memory_space<hbm>>) target_semaphore(%arg10 : memref<!tpu.dma_semaphore, #tpu.memory_space<semaphore_mem>>)
    %dma_wait3A_81 = arith.constant 0 : i32
    %dma_wait3A_82 = arith.constant 0 : i32
    %dma_wait3A_83 = arith.constant 0 : i32
    %dma_wait3A_84 = tpu.memref_slice %arg6[%dma_wait3A_81, %dma_wait3A_82, %dma_wait3A_83] : memref<2x400x128xf32, #tpu.memory_space<vmem>> -> memref<1x400x128xf32, #tpu.memory_space<vmem>>
    %dma_wait3A_85 = tpu.memref_squeeze %dma_wait3A_84 : memref<1x400x128xf32, #tpu.memory_space<vmem>> -> memref<400x128xf32, #tpu.memory_space<vmem>>
    %dma_wait3A_86 = arith.constant 0 : i32
    %dma_wait3A_87 = arith.constant 0 : i32
    %dma_wait3A_88 = tpu.memref_slice %arg3[%dma_wait3A_86, %dma_wait3A_87] : memref<100000x128xf32, #tpu.memory_space<hbm>> -> memref<400x128xf32, #tpu.memory_space<hbm>>
    %dma_wait3A_89 = arith.constant 0 : i32
    %dma_wait3A_90 = arith.constant 0 : i32
    %dma_wait3A_91 = tpu.memref_slice %arg6[%dma_wait3A_81, %dma_wait3A_89, %dma_wait3A_90] : memref<2x400x128xf32, #tpu.memory_space<vmem>> -> memref<1x400x128xf32, #tpu.memory_space<vmem>>
    %dma_wait3A_92 = tpu.memref_squeeze %dma_wait3A_91 : memref<1x400x128xf32, #tpu.memory_space<vmem>> -> memref<400x128xf32, #tpu.memory_space<vmem>>
    %dma_wait3A_93 = arith.constant 0 : i32
    %dma_wait3A_94 = arith.constant 0 : i32
    %dma_wait3A_95 = tpu.memref_slice %arg3[%dma_wait3A_93, %dma_wait3A_94] : memref<100000x128xf32, #tpu.memory_space<hbm>> -> memref<400x128xf32, #tpu.memory_space<hbm>>
    tpu.wait_dma2 semaphore(%arg9 : memref<!tpu.dma_semaphore, #tpu.memory_space<semaphore_mem>>) src(%dma_wait3A_95 : memref<400x128xf32, #tpu.memory_space<hbm>>) dst(%dma_wait3A_92 : memref<400x128xf32, #tpu.memory_space<vmem>>)
    %dma_start3A_96 = arith.constant 0 : i32
    %dma_start3A_97 = arith.constant 0 : i32
    %dma_start3A_98 = arith.constant 0 : i32
    %dma_start3A_99 = tpu.memref_slice %arg6[%dma_start3A_96, %dma_start3A_97, %dma_start3A_98] : memref<2x400x128xf32, #tpu.memory_space<vmem>> -> memref<1x400x128xf32, #tpu.memory_space<vmem>>
    %dma_start3A_100 = tpu.memref_squeeze %dma_start3A_99 : memref<1x400x128xf32, #tpu.memory_space<vmem>> -> memref<400x128xf32, #tpu.memory_space<vmem>>
    %dma_start3A_101 = arith.constant 800 : i32
    %dma_start3A_102 = tpu.memref_slice %arg5[%dma_start3A_101] : memref<25600xi32, #tpu.memory_space<vmem>> -> memref<400xi32, #tpu.memory_space<vmem>>
    %dma_start3A_103 = arith.constant 0 : i32
    %dma_start3A_104 = arith.constant 0 : i32
    %dma_start3A_105 = tpu.memref_slice %arg3[%dma_start3A_103, %dma_start3A_104] : memref<100000x128xf32, #tpu.memory_space<hbm>> -> memref<100000x128xf32, #tpu.memory_space<hbm>>
    tpu.enqueue_indirect_dma source(%dma_start3A_105 : memref<100000x128xf32, #tpu.memory_space<hbm>>) target(%dma_start3A_100 : memref<400x128xf32, #tpu.memory_space<vmem>>) offsets(%dma_start3A_102 : memref<400xi32, #tpu.memory_space<vmem>>) semaphore(%arg7 : memref<!tpu.dma_semaphore, #tpu.memory_space<semaphore_mem>>)
    %scan3A = arith.constant 0 : i32
    %scan3A_106 = arith.constant 1 : i32
    %scan3A_107 = arith.constant 30 : i32
    %scan3A_108 = arith.addi %scan3A_106, %scan3A_107 : i32
    %scan3A_109 = arith.constant 1 : i32
    scf.for %scan3A_226 = %scan3A_106 to %scan3A_108 step %scan3A_109  : i32 {
      %mul3A_227 = arith.constant 2 : i32
      %mul3A_228 = arith.muli %scan3A_226, %mul3A_227 : i32
      %add3A_229 = arith.constant 0 : i32
      %add3A_230 = arith.addi %mul3A_228, %add3A_229 : i32
      %dma_wait3A_231 = arith.constant 0 : i32
      %dma_wait3A_232 = arith.constant 0 : i32
      %dma_wait3A_233 = arith.constant 0 : i32
      %dma_wait3A_234 = tpu.memref_slice %arg6[%dma_wait3A_231, %dma_wait3A_232, %dma_wait3A_233] : memref<2x400x128xf32, #tpu.memory_space<vmem>> -> memref<1x400x128xf32, #tpu.memory_space<vmem>>
      %dma_wait3A_235 = tpu.memref_squeeze %dma_wait3A_234 : memref<1x400x128xf32, #tpu.memory_space<vmem>> -> memref<400x128xf32, #tpu.memory_space<vmem>>
      %dma_wait3A_236 = arith.constant 0 : i32
      %dma_wait3A_237 = arith.constant 0 : i32
      %dma_wait3A_238 = tpu.memref_slice %arg3[%dma_wait3A_236, %dma_wait3A_237] : memref<100000x128xf32, #tpu.memory_space<hbm>> -> memref<400x128xf32, #tpu.memory_space<hbm>>
      %dma_wait3A_239 = arith.constant 0 : i32
      %dma_wait3A_240 = arith.constant 0 : i32
      %dma_wait3A_241 = tpu.memref_slice %arg6[%dma_wait3A_231, %dma_wait3A_239, %dma_wait3A_240] : memref<2x400x128xf32, #tpu.memory_space<vmem>> -> memref<1x400x128xf32, #tpu.memory_space<vmem>>
      %dma_wait3A_242 = tpu.memref_squeeze %dma_wait3A_241 : memref<1x400x128xf32, #tpu.memory_space<vmem>> -> memref<400x128xf32, #tpu.memory_space<vmem>>
      %dma_wait3A_243 = arith.constant 0 : i32
      %dma_wait3A_244 = arith.constant 0 : i32
      %dma_wait3A_245 = tpu.memref_slice %arg3[%dma_wait3A_243, %dma_wait3A_244] : memref<100000x128xf32, #tpu.memory_space<hbm>> -> memref<400x128xf32, #tpu.memory_space<hbm>>
      tpu.wait_dma2 semaphore(%arg7 : memref<!tpu.dma_semaphore, #tpu.memory_space<semaphore_mem>>) src(%dma_wait3A_245 : memref<400x128xf32, #tpu.memory_space<hbm>>) dst(%dma_wait3A_242 : memref<400x128xf32, #tpu.memory_space<vmem>>)
      %mul3A_246 = arith.constant 400 : i32
      %mul3A_247 = arith.muli %add3A_230, %mul3A_246 : i32
      %add3A_248 = arith.addi %mul3A_2, %mul3A_247 : i32
      %dma_start3A_249 = arith.constant 0 : i32
      %dma_start3A_250 = arith.constant 0 : i32
      %dma_start3A_251 = arith.constant 0 : i32
      %dma_start3A_252 = tpu.memref_slice %arg6[%dma_start3A_249, %dma_start3A_250, %dma_start3A_251] : memref<2x400x128xf32, #tpu.memory_space<vmem>> -> memref<1x400x128xf32, #tpu.memory_space<vmem>>
      %dma_start3A_253 = tpu.memref_squeeze %dma_start3A_252 : memref<1x400x128xf32, #tpu.memory_space<vmem>> -> memref<400x128xf32, #tpu.memory_space<vmem>>
      %dma_start3A_254 = arith.constant 0 : i32
      %dma_start3A_255 = tpu.memref_slice %arg4[%add3A_248, %dma_start3A_254] : memref<819200x128xf32, #tpu.memory_space<hbm>> -> memref<400x128xf32, #tpu.memory_space<hbm>>
      %dma_start3A_256 = arith.constant 0 : i32
      %dma_start3A_257 = tpu.memref_slice %arg4[%add3A_248, %dma_start3A_256] : memref<819200x128xf32, #tpu.memory_space<hbm>> -> memref<400x128xf32, #tpu.memory_space<hbm>>
      %dma_start3A_258 = arith.constant 0 : i32
      %dma_start3A_259 = arith.constant 0 : i32
      %dma_start3A_260 = tpu.memref_slice %arg6[%dma_start3A_249, %dma_start3A_258, %dma_start3A_259] : memref<2x400x128xf32, #tpu.memory_space<vmem>> -> memref<1x400x128xf32, #tpu.memory_space<vmem>>
      %dma_start3A_261 = tpu.memref_squeeze %dma_start3A_260 : memref<1x400x128xf32, #tpu.memory_space<vmem>> -> memref<400x128xf32, #tpu.memory_space<vmem>>
      tpu.enqueue_dma source(%dma_start3A_261 : memref<400x128xf32, #tpu.memory_space<vmem>>) target(%dma_start3A_257 : memref<400x128xf32, #tpu.memory_space<hbm>>) target_semaphore(%arg9 : memref<!tpu.dma_semaphore, #tpu.memory_space<semaphore_mem>>)
      %dma_wait3A_262 = arith.constant 1 : i32
      %dma_wait3A_263 = arith.constant 0 : i32
      %dma_wait3A_264 = arith.constant 0 : i32
      %dma_wait3A_265 = tpu.memref_slice %arg6[%dma_wait3A_262, %dma_wait3A_263, %dma_wait3A_264] : memref<2x400x128xf32, #tpu.memory_space<vmem>> -> memref<1x400x128xf32, #tpu.memory_space<vmem>>
      %dma_wait3A_266 = tpu.memref_squeeze %dma_wait3A_265 : memref<1x400x128xf32, #tpu.memory_space<vmem>> -> memref<400x128xf32, #tpu.memory_space<vmem>>
      %dma_wait3A_267 = arith.constant 0 : i32
      %dma_wait3A_268 = arith.constant 0 : i32
      %dma_wait3A_269 = tpu.memref_slice %arg3[%dma_wait3A_267, %dma_wait3A_268] : memref<100000x128xf32, #tpu.memory_space<hbm>> -> memref<400x128xf32, #tpu.memory_space<hbm>>
      %dma_wait3A_270 = arith.constant 0 : i32
      %dma_wait3A_271 = arith.constant 0 : i32
      %dma_wait3A_272 = tpu.memref_slice %arg6[%dma_wait3A_262, %dma_wait3A_270, %dma_wait3A_271] : memref<2x400x128xf32, #tpu.memory_space<vmem>> -> memref<1x400x128xf32, #tpu.memory_space<vmem>>
      %dma_wait3A_273 = tpu.memref_squeeze %dma_wait3A_272 : memref<1x400x128xf32, #tpu.memory_space<vmem>> -> memref<400x128xf32, #tpu.memory_space<vmem>>
      %dma_wait3A_274 = arith.constant 0 : i32
      %dma_wait3A_275 = arith.constant 0 : i32
      %dma_wait3A_276 = tpu.memref_slice %arg3[%dma_wait3A_274, %dma_wait3A_275] : memref<100000x128xf32, #tpu.memory_space<hbm>> -> memref<400x128xf32, #tpu.memory_space<hbm>>
      tpu.wait_dma2 semaphore(%arg10 : memref<!tpu.dma_semaphore, #tpu.memory_space<semaphore_mem>>) src(%dma_wait3A_276 : memref<400x128xf32, #tpu.memory_space<hbm>>) dst(%dma_wait3A_273 : memref<400x128xf32, #tpu.memory_space<vmem>>)
      %add3A_277 = arith.constant 1 : i32
      %add3A_278 = arith.addi %add3A_230, %add3A_277 : i32
      %mul3A_279 = arith.constant 400 : i32
      %mul3A_280 = arith.muli %add3A_278, %mul3A_279 : i32
      %dma_start3A_281 = arith.constant 1 : i32
      %dma_start3A_282 = arith.constant 0 : i32
      %dma_start3A_283 = arith.constant 0 : i32
      %dma_start3A_284 = tpu.memref_slice %arg6[%dma_start3A_281, %dma_start3A_282, %dma_start3A_283] : memref<2x400x128xf32, #tpu.memory_space<vmem>> -> memref<1x400x128xf32, #tpu.memory_space<vmem>>
      %dma_start3A_285 = tpu.memref_squeeze %dma_start3A_284 : memref<1x400x128xf32, #tpu.memory_space<vmem>> -> memref<400x128xf32, #tpu.memory_space<vmem>>
      %dma_start3A_286 = tpu.memref_slice %arg5[%mul3A_280] : memref<25600xi32, #tpu.memory_space<vmem>> -> memref<400xi32, #tpu.memory_space<vmem>>
      %dma_start3A_287 = arith.constant 0 : i32
      %dma_start3A_288 = arith.constant 0 : i32
      %dma_start3A_289 = tpu.memref_slice %arg3[%dma_start3A_287, %dma_start3A_288] : memref<100000x128xf32, #tpu.memory_space<hbm>> -> memref<100000x128xf32, #tpu.memory_space<hbm>>
      tpu.enqueue_indirect_dma source(%dma_start3A_289 : memref<100000x128xf32, #tpu.memory_space<hbm>>) target(%dma_start3A_285 : memref<400x128xf32, #tpu.memory_space<vmem>>) offsets(%dma_start3A_286 : memref<400xi32, #tpu.memory_space<vmem>>) semaphore(%arg8 : memref<!tpu.dma_semaphore, #tpu.memory_space<semaphore_mem>>)
      %add3A_290 = arith.constant 1 : i32
      %add3A_291 = arith.addi %mul3A_228, %add3A_290 : i32
      %dma_wait3A_292 = arith.constant 1 : i32
      %dma_wait3A_293 = arith.constant 0 : i32
      %dma_wait3A_294 = arith.constant 0 : i32
      %dma_wait3A_295 = tpu.memref_slice %arg6[%dma_wait3A_292, %dma_wait3A_293, %dma_wait3A_294] : memref<2x400x128xf32, #tpu.memory_space<vmem>> -> memref<1x400x128xf32, #tpu.memory_space<vmem>>
      %dma_wait3A_296 = tpu.memref_squeeze %dma_wait3A_295 : memref<1x400x128xf32, #tpu.memory_space<vmem>> -> memref<400x128xf32, #tpu.memory_space<vmem>>
      %dma_wait3A_297 = arith.constant 0 : i32
      %dma_wait3A_298 = arith.constant 0 : i32
      %dma_wait3A_299 = tpu.memref_slice %arg3[%dma_wait3A_297, %dma_wait3A_298] : memref<100000x128xf32, #tpu.memory_space<hbm>> -> memref<400x128xf32, #tpu.memory_space<hbm>>
      %dma_wait3A_300 = arith.constant 0 : i32
      %dma_wait3A_301 = arith.constant 0 : i32
      %dma_wait3A_302 = tpu.memref_slice %arg6[%dma_wait3A_292, %dma_wait3A_300, %dma_wait3A_301] : memref<2x400x128xf32, #tpu.memory_space<vmem>> -> memref<1x400x128xf32, #tpu.memory_space<vmem>>
      %dma_wait3A_303 = tpu.memref_squeeze %dma_wait3A_302 : memref<1x400x128xf32, #tpu.memory_space<vmem>> -> memref<400x128xf32, #tpu.memory_space<vmem>>
      %dma_wait3A_304 = arith.constant 0 : i32
      %dma_wait3A_305 = arith.constant 0 : i32
      %dma_wait3A_306 = tpu.memref_slice %arg3[%dma_wait3A_304, %dma_wait3A_305] : memref<100000x128xf32, #tpu.memory_space<hbm>> -> memref<400x128xf32, #tpu.memory_space<hbm>>
      tpu.wait_dma2 semaphore(%arg8 : memref<!tpu.dma_semaphore, #tpu.memory_space<semaphore_mem>>) src(%dma_wait3A_306 : memref<400x128xf32, #tpu.memory_space<hbm>>) dst(%dma_wait3A_303 : memref<400x128xf32, #tpu.memory_space<vmem>>)
      %mul3A_307 = arith.constant 400 : i32
      %mul3A_308 = arith.muli %add3A_291, %mul3A_307 : i32
      %add3A_309 = arith.addi %mul3A_2, %mul3A_308 : i32
      %dma_start3A_310 = arith.constant 1 : i32
      %dma_start3A_311 = arith.constant 0 : i32
      %dma_start3A_312 = arith.constant 0 : i32
      %dma_start3A_313 = tpu.memref_slice %arg6[%dma_start3A_310, %dma_start3A_311, %dma_start3A_312] : memref<2x400x128xf32, #tpu.memory_space<vmem>> -> memref<1x400x128xf32, #tpu.memory_space<vmem>>
      %dma_start3A_314 = tpu.memref_squeeze %dma_start3A_313 : memref<1x400x128xf32, #tpu.memory_space<vmem>> -> memref<400x128xf32, #tpu.memory_space<vmem>>
      %dma_start3A_315 = arith.constant 0 : i32
      %dma_start3A_316 = tpu.memref_slice %arg4[%add3A_309, %dma_start3A_315] : memref<819200x128xf32, #tpu.memory_space<hbm>> -> memref<400x128xf32, #tpu.memory_space<hbm>>
      %dma_start3A_317 = arith.constant 0 : i32
      %dma_start3A_318 = tpu.memref_slice %arg4[%add3A_309, %dma_start3A_317] : memref<819200x128xf32, #tpu.memory_space<hbm>> -> memref<400x128xf32, #tpu.memory_space<hbm>>
      %dma_start3A_319 = arith.constant 0 : i32
      %dma_start3A_320 = arith.constant 0 : i32
      %dma_start3A_321 = tpu.memref_slice %arg6[%dma_start3A_310, %dma_start3A_319, %dma_start3A_320] : memref<2x400x128xf32, #tpu.memory_space<vmem>> -> memref<1x400x128xf32, #tpu.memory_space<vmem>>
      %dma_start3A_322 = tpu.memref_squeeze %dma_start3A_321 : memref<1x400x128xf32, #tpu.memory_space<vmem>> -> memref<400x128xf32, #tpu.memory_space<vmem>>
      tpu.enqueue_dma source(%dma_start3A_322 : memref<400x128xf32, #tpu.memory_space<vmem>>) target(%dma_start3A_318 : memref<400x128xf32, #tpu.memory_space<hbm>>) target_semaphore(%arg10 : memref<!tpu.dma_semaphore, #tpu.memory_space<semaphore_mem>>)
      %dma_wait3A_323 = arith.constant 0 : i32
      %dma_wait3A_324 = arith.constant 0 : i32
      %dma_wait3A_325 = arith.constant 0 : i32
      %dma_wait3A_326 = tpu.memref_slice %arg6[%dma_wait3A_323, %dma_wait3A_324, %dma_wait3A_325] : memref<2x400x128xf32, #tpu.memory_space<vmem>> -> memref<1x400x128xf32, #tpu.memory_space<vmem>>
      %dma_wait3A_327 = tpu.memref_squeeze %dma_wait3A_326 : memref<1x400x128xf32, #tpu.memory_space<vmem>> -> memref<400x128xf32, #tpu.memory_space<vmem>>
      %dma_wait3A_328 = arith.constant 0 : i32
      %dma_wait3A_329 = arith.constant 0 : i32
      %dma_wait3A_330 = tpu.memref_slice %arg3[%dma_wait3A_328, %dma_wait3A_329] : memref<100000x128xf32, #tpu.memory_space<hbm>> -> memref<400x128xf32, #tpu.memory_space<hbm>>
      %dma_wait3A_331 = arith.constant 0 : i32
      %dma_wait3A_332 = arith.constant 0 : i32
      %dma_wait3A_333 = tpu.memref_slice %arg6[%dma_wait3A_323, %dma_wait3A_331, %dma_wait3A_332] : memref<2x400x128xf32, #tpu.memory_space<vmem>> -> memref<1x400x128xf32, #tpu.memory_space<vmem>>
      %dma_wait3A_334 = tpu.memref_squeeze %dma_wait3A_333 : memref<1x400x128xf32, #tpu.memory_space<vmem>> -> memref<400x128xf32, #tpu.memory_space<vmem>>
      %dma_wait3A_335 = arith.constant 0 : i32
      %dma_wait3A_336 = arith.constant 0 : i32
      %dma_wait3A_337 = tpu.memref_slice %arg3[%dma_wait3A_335, %dma_wait3A_336] : memref<100000x128xf32, #tpu.memory_space<hbm>> -> memref<400x128xf32, #tpu.memory_space<hbm>>
      tpu.wait_dma2 semaphore(%arg9 : memref<!tpu.dma_semaphore, #tpu.memory_space<semaphore_mem>>) src(%dma_wait3A_337 : memref<400x128xf32, #tpu.memory_space<hbm>>) dst(%dma_wait3A_334 : memref<400x128xf32, #tpu.memory_space<vmem>>)
      %add3A_338 = arith.constant 1 : i32
      %add3A_339 = arith.addi %add3A_291, %add3A_338 : i32
      %mul3A_340 = arith.constant 400 : i32
      %mul3A_341 = arith.muli %add3A_339, %mul3A_340 : i32
      %dma_start3A_342 = arith.constant 0 : i32
      %dma_start3A_343 = arith.constant 0 : i32
      %dma_start3A_344 = arith.constant 0 : i32
      %dma_start3A_345 = tpu.memref_slice %arg6[%dma_start3A_342, %dma_start3A_343, %dma_start3A_344] : memref<2x400x128xf32, #tpu.memory_space<vmem>> -> memref<1x400x128xf32, #tpu.memory_space<vmem>>
      %dma_start3A_346 = tpu.memref_squeeze %dma_start3A_345 : memref<1x400x128xf32, #tpu.memory_space<vmem>> -> memref<400x128xf32, #tpu.memory_space<vmem>>
      %dma_start3A_347 = tpu.memref_slice %arg5[%mul3A_341] : memref<25600xi32, #tpu.memory_space<vmem>> -> memref<400xi32, #tpu.memory_space<vmem>>
      %dma_start3A_348 = arith.constant 0 : i32
      %dma_start3A_349 = arith.constant 0 : i32
      %dma_start3A_350 = tpu.memref_slice %arg3[%dma_start3A_348, %dma_start3A_349] : memref<100000x128xf32, #tpu.memory_space<hbm>> -> memref<100000x128xf32, #tpu.memory_space<hbm>>
      tpu.enqueue_indirect_dma source(%dma_start3A_350 : memref<100000x128xf32, #tpu.memory_space<hbm>>) target(%dma_start3A_346 : memref<400x128xf32, #tpu.memory_space<vmem>>) offsets(%dma_start3A_347 : memref<400xi32, #tpu.memory_space<vmem>>) semaphore(%arg7 : memref<!tpu.dma_semaphore, #tpu.memory_space<semaphore_mem>>)
    }
    %scan3A_110 = arith.constant 30 : i32
    %dma_wait3A_111 = arith.constant 0 : i32
    %dma_wait3A_112 = arith.constant 0 : i32
    %dma_wait3A_113 = arith.constant 0 : i32
    %dma_wait3A_114 = tpu.memref_slice %arg6[%dma_wait3A_111, %dma_wait3A_112, %dma_wait3A_113] : memref<2x400x128xf32, #tpu.memory_space<vmem>> -> memref<1x400x128xf32, #tpu.memory_space<vmem>>
    %dma_wait3A_115 = tpu.memref_squeeze %dma_wait3A_114 : memref<1x400x128xf32, #tpu.memory_space<vmem>> -> memref<400x128xf32, #tpu.memory_space<vmem>>
    %dma_wait3A_116 = arith.constant 0 : i32
    %dma_wait3A_117 = arith.constant 0 : i32
    %dma_wait3A_118 = tpu.memref_slice %arg3[%dma_wait3A_116, %dma_wait3A_117] : memref<100000x128xf32, #tpu.memory_space<hbm>> -> memref<400x128xf32, #tpu.memory_space<hbm>>
    %dma_wait3A_119 = arith.constant 0 : i32
    %dma_wait3A_120 = arith.constant 0 : i32
    %dma_wait3A_121 = tpu.memref_slice %arg6[%dma_wait3A_111, %dma_wait3A_119, %dma_wait3A_120] : memref<2x400x128xf32, #tpu.memory_space<vmem>> -> memref<1x400x128xf32, #tpu.memory_space<vmem>>
    %dma_wait3A_122 = tpu.memref_squeeze %dma_wait3A_121 : memref<1x400x128xf32, #tpu.memory_space<vmem>> -> memref<400x128xf32, #tpu.memory_space<vmem>>
    %dma_wait3A_123 = arith.constant 0 : i32
    %dma_wait3A_124 = arith.constant 0 : i32
    %dma_wait3A_125 = tpu.memref_slice %arg3[%dma_wait3A_123, %dma_wait3A_124] : memref<100000x128xf32, #tpu.memory_space<hbm>> -> memref<400x128xf32, #tpu.memory_space<hbm>>
    tpu.wait_dma2 semaphore(%arg7 : memref<!tpu.dma_semaphore, #tpu.memory_space<semaphore_mem>>) src(%dma_wait3A_125 : memref<400x128xf32, #tpu.memory_space<hbm>>) dst(%dma_wait3A_122 : memref<400x128xf32, #tpu.memory_space<vmem>>)
    %add3A_126 = arith.constant 24800 : i32
    %add3A_127 = arith.addi %mul3A_2, %add3A_126 : i32
    %dma_start3A_128 = arith.constant 0 : i32
    %dma_start3A_129 = arith.constant 0 : i32
    %dma_start3A_130 = arith.constant 0 : i32
    %dma_start3A_131 = tpu.memref_slice %arg6[%dma_start3A_128, %dma_start3A_129, %dma_start3A_130] : memref<2x400x128xf32, #tpu.memory_space<vmem>> -> memref<1x400x128xf32, #tpu.memory_space<vmem>>
    %dma_start3A_132 = tpu.memref_squeeze %dma_start3A_131 : memref<1x400x128xf32, #tpu.memory_space<vmem>> -> memref<400x128xf32, #tpu.memory_space<vmem>>
    %dma_start3A_133 = arith.constant 0 : i32
    %dma_start3A_134 = tpu.memref_slice %arg4[%add3A_127, %dma_start3A_133] : memref<819200x128xf32, #tpu.memory_space<hbm>> -> memref<400x128xf32, #tpu.memory_space<hbm>>
    %dma_start3A_135 = arith.constant 0 : i32
    %dma_start3A_136 = tpu.memref_slice %arg4[%add3A_127, %dma_start3A_135] : memref<819200x128xf32, #tpu.memory_space<hbm>> -> memref<400x128xf32, #tpu.memory_space<hbm>>
    %dma_start3A_137 = arith.constant 0 : i32
    %dma_start3A_138 = arith.constant 0 : i32
    %dma_start3A_139 = tpu.memref_slice %arg6[%dma_start3A_128, %dma_start3A_137, %dma_start3A_138] : memref<2x400x128xf32, #tpu.memory_space<vmem>> -> memref<1x400x128xf32, #tpu.memory_space<vmem>>
    %dma_start3A_140 = tpu.memref_squeeze %dma_start3A_139 : memref<1x400x128xf32, #tpu.memory_space<vmem>> -> memref<400x128xf32, #tpu.memory_space<vmem>>
    tpu.enqueue_dma source(%dma_start3A_140 : memref<400x128xf32, #tpu.memory_space<vmem>>) target(%dma_start3A_136 : memref<400x128xf32, #tpu.memory_space<hbm>>) target_semaphore(%arg9 : memref<!tpu.dma_semaphore, #tpu.memory_space<semaphore_mem>>)
    %dma_wait3A_141 = arith.constant 1 : i32
    %dma_wait3A_142 = arith.constant 0 : i32
    %dma_wait3A_143 = arith.constant 0 : i32
    %dma_wait3A_144 = tpu.memref_slice %arg6[%dma_wait3A_141, %dma_wait3A_142, %dma_wait3A_143] : memref<2x400x128xf32, #tpu.memory_space<vmem>> -> memref<1x400x128xf32, #tpu.memory_space<vmem>>
    %dma_wait3A_145 = tpu.memref_squeeze %dma_wait3A_144 : memref<1x400x128xf32, #tpu.memory_space<vmem>> -> memref<400x128xf32, #tpu.memory_space<vmem>>
    %dma_wait3A_146 = arith.constant 0 : i32
    %dma_wait3A_147 = arith.constant 0 : i32
    %dma_wait3A_148 = tpu.memref_slice %arg3[%dma_wait3A_146, %dma_wait3A_147] : memref<100000x128xf32, #tpu.memory_space<hbm>> -> memref<400x128xf32, #tpu.memory_space<hbm>>
    %dma_wait3A_149 = arith.constant 0 : i32
    %dma_wait3A_150 = arith.constant 0 : i32
    %dma_wait3A_151 = tpu.memref_slice %arg6[%dma_wait3A_141, %dma_wait3A_149, %dma_wait3A_150] : memref<2x400x128xf32, #tpu.memory_space<vmem>> -> memref<1x400x128xf32, #tpu.memory_space<vmem>>
    %dma_wait3A_152 = tpu.memref_squeeze %dma_wait3A_151 : memref<1x400x128xf32, #tpu.memory_space<vmem>> -> memref<400x128xf32, #tpu.memory_space<vmem>>
    %dma_wait3A_153 = arith.constant 0 : i32
    %dma_wait3A_154 = arith.constant 0 : i32
    %dma_wait3A_155 = tpu.memref_slice %arg3[%dma_wait3A_153, %dma_wait3A_154] : memref<100000x128xf32, #tpu.memory_space<hbm>> -> memref<400x128xf32, #tpu.memory_space<hbm>>
    tpu.wait_dma2 semaphore(%arg10 : memref<!tpu.dma_semaphore, #tpu.memory_space<semaphore_mem>>) src(%dma_wait3A_155 : memref<400x128xf32, #tpu.memory_space<hbm>>) dst(%dma_wait3A_152 : memref<400x128xf32, #tpu.memory_space<vmem>>)
    %dma_start3A_156 = arith.constant 1 : i32
    %dma_start3A_157 = arith.constant 0 : i32
    %dma_start3A_158 = arith.constant 0 : i32
    %dma_start3A_159 = tpu.memref_slice %arg6[%dma_start3A_156, %dma_start3A_157, %dma_start3A_158] : memref<2x400x128xf32, #tpu.memory_space<vmem>> -> memref<1x400x128xf32, #tpu.memory_space<vmem>>
    %dma_start3A_160 = tpu.memref_squeeze %dma_start3A_159 : memref<1x400x128xf32, #tpu.memory_space<vmem>> -> memref<400x128xf32, #tpu.memory_space<vmem>>
    %dma_start3A_161 = arith.constant 25200 : i32
    %dma_start3A_162 = tpu.memref_slice %arg5[%dma_start3A_161] : memref<25600xi32, #tpu.memory_space<vmem>> -> memref<400xi32, #tpu.memory_space<vmem>>
    %dma_start3A_163 = arith.constant 0 : i32
    %dma_start3A_164 = arith.constant 0 : i32
    %dma_start3A_165 = tpu.memref_slice %arg3[%dma_start3A_163, %dma_start3A_164] : memref<100000x128xf32, #tpu.memory_space<hbm>> -> memref<100000x128xf32, #tpu.memory_space<hbm>>
    tpu.enqueue_indirect_dma source(%dma_start3A_165 : memref<100000x128xf32, #tpu.memory_space<hbm>>) target(%dma_start3A_160 : memref<400x128xf32, #tpu.memory_space<vmem>>) offsets(%dma_start3A_162 : memref<400xi32, #tpu.memory_space<vmem>>) semaphore(%arg8 : memref<!tpu.dma_semaphore, #tpu.memory_space<semaphore_mem>>)
    %dma_wait3A_166 = arith.constant 1 : i32
    %dma_wait3A_167 = arith.constant 0 : i32
    %dma_wait3A_168 = arith.constant 0 : i32
    %dma_wait3A_169 = tpu.memref_slice %arg6[%dma_wait3A_166, %dma_wait3A_167, %dma_wait3A_168] : memref<2x400x128xf32, #tpu.memory_space<vmem>> -> memref<1x400x128xf32, #tpu.memory_space<vmem>>
    %dma_wait3A_170 = tpu.memref_squeeze %dma_wait3A_169 : memref<1x400x128xf32, #tpu.memory_space<vmem>> -> memref<400x128xf32, #tpu.memory_space<vmem>>
    %dma_wait3A_171 = arith.constant 0 : i32
    %dma_wait3A_172 = arith.constant 0 : i32
    %dma_wait3A_173 = tpu.memref_slice %arg3[%dma_wait3A_171, %dma_wait3A_172] : memref<100000x128xf32, #tpu.memory_space<hbm>> -> memref<400x128xf32, #tpu.memory_space<hbm>>
    %dma_wait3A_174 = arith.constant 0 : i32
    %dma_wait3A_175 = arith.constant 0 : i32
    %dma_wait3A_176 = tpu.memref_slice %arg6[%dma_wait3A_166, %dma_wait3A_174, %dma_wait3A_175] : memref<2x400x128xf32, #tpu.memory_space<vmem>> -> memref<1x400x128xf32, #tpu.memory_space<vmem>>
    %dma_wait3A_177 = tpu.memref_squeeze %dma_wait3A_176 : memref<1x400x128xf32, #tpu.memory_space<vmem>> -> memref<400x128xf32, #tpu.memory_space<vmem>>
    %dma_wait3A_178 = arith.constant 0 : i32
    %dma_wait3A_179 = arith.constant 0 : i32
    %dma_wait3A_180 = tpu.memref_slice %arg3[%dma_wait3A_178, %dma_wait3A_179] : memref<100000x128xf32, #tpu.memory_space<hbm>> -> memref<400x128xf32, #tpu.memory_space<hbm>>
    tpu.wait_dma2 semaphore(%arg8 : memref<!tpu.dma_semaphore, #tpu.memory_space<semaphore_mem>>) src(%dma_wait3A_180 : memref<400x128xf32, #tpu.memory_space<hbm>>) dst(%dma_wait3A_177 : memref<400x128xf32, #tpu.memory_space<vmem>>)
    %add3A_181 = arith.constant 25200 : i32
    %add3A_182 = arith.addi %mul3A_2, %add3A_181 : i32
    %dma_start3A_183 = arith.constant 1 : i32
    %dma_start3A_184 = arith.constant 0 : i32
    %dma_start3A_185 = arith.constant 0 : i32
    %dma_start3A_186 = tpu.memref_slice %arg6[%dma_start3A_183, %dma_start3A_184, %dma_start3A_185] : memref<2x400x128xf32, #tpu.memory_space<vmem>> -> memref<1x400x128xf32, #tpu.memory_space<vmem>>
    %dma_start3A_187 = tpu.memref_squeeze %dma_start3A_186 : memref<1x400x128xf32, #tpu.memory_space<vmem>> -> memref<400x128xf32, #tpu.memory_space<vmem>>
    %dma_start3A_188 = arith.constant 0 : i32
    %dma_start3A_189 = tpu.memref_slice %arg4[%add3A_182, %dma_start3A_188] : memref<819200x128xf32, #tpu.memory_space<hbm>> -> memref<400x128xf32, #tpu.memory_space<hbm>>
    %dma_start3A_190 = arith.constant 0 : i32
    %dma_start3A_191 = tpu.memref_slice %arg4[%add3A_182, %dma_start3A_190] : memref<819200x128xf32, #tpu.memory_space<hbm>> -> memref<400x128xf32, #tpu.memory_space<hbm>>
    %dma_start3A_192 = arith.constant 0 : i32
    %dma_start3A_193 = arith.constant 0 : i32
    %dma_start3A_194 = tpu.memref_slice %arg6[%dma_start3A_183, %dma_start3A_192, %dma_start3A_193] : memref<2x400x128xf32, #tpu.memory_space<vmem>> -> memref<1x400x128xf32, #tpu.memory_space<vmem>>
    %dma_start3A_195 = tpu.memref_squeeze %dma_start3A_194 : memref<1x400x128xf32, #tpu.memory_space<vmem>> -> memref<400x128xf32, #tpu.memory_space<vmem>>
    tpu.enqueue_dma source(%dma_start3A_195 : memref<400x128xf32, #tpu.memory_space<vmem>>) target(%dma_start3A_191 : memref<400x128xf32, #tpu.memory_space<hbm>>) target_semaphore(%arg10 : memref<!tpu.dma_semaphore, #tpu.memory_space<semaphore_mem>>)
    %dma_wait3A_196 = arith.constant 0 : i32
    %dma_wait3A_197 = arith.constant 0 : i32
    %dma_wait3A_198 = arith.constant 0 : i32
    %dma_wait3A_199 = tpu.memref_slice %arg6[%dma_wait3A_196, %dma_wait3A_197, %dma_wait3A_198] : memref<2x400x128xf32, #tpu.memory_space<vmem>> -> memref<1x400x128xf32, #tpu.memory_space<vmem>>
    %dma_wait3A_200 = tpu.memref_squeeze %dma_wait3A_199 : memref<1x400x128xf32, #tpu.memory_space<vmem>> -> memref<400x128xf32, #tpu.memory_space<vmem>>
    %dma_wait3A_201 = arith.constant 0 : i32
    %dma_wait3A_202 = arith.constant 0 : i32
    %dma_wait3A_203 = tpu.memref_slice %arg3[%dma_wait3A_201, %dma_wait3A_202] : memref<100000x128xf32, #tpu.memory_space<hbm>> -> memref<400x128xf32, #tpu.memory_space<hbm>>
    %dma_wait3A_204 = arith.constant 0 : i32
    %dma_wait3A_205 = arith.constant 0 : i32
    %dma_wait3A_206 = tpu.memref_slice %arg6[%dma_wait3A_196, %dma_wait3A_204, %dma_wait3A_205] : memref<2x400x128xf32, #tpu.memory_space<vmem>> -> memref<1x400x128xf32, #tpu.memory_space<vmem>>
    %dma_wait3A_207 = tpu.memref_squeeze %dma_wait3A_206 : memref<1x400x128xf32, #tpu.memory_space<vmem>> -> memref<400x128xf32, #tpu.memory_space<vmem>>
    %dma_wait3A_208 = arith.constant 0 : i32
    %dma_wait3A_209 = arith.constant 0 : i32
    %dma_wait3A_210 = tpu.memref_slice %arg3[%dma_wait3A_208, %dma_wait3A_209] : memref<100000x128xf32, #tpu.memory_space<hbm>> -> memref<400x128xf32, #tpu.memory_space<hbm>>
    tpu.wait_dma2 semaphore(%arg9 : memref<!tpu.dma_semaphore, #tpu.memory_space<semaphore_mem>>) src(%dma_wait3A_210 : memref<400x128xf32, #tpu.memory_space<hbm>>) dst(%dma_wait3A_207 : memref<400x128xf32, #tpu.memory_space<vmem>>)
    %dma_wait3A_211 = arith.constant 1 : i32
    %dma_wait3A_212 = arith.constant 0 : i32
    %dma_wait3A_213 = arith.constant 0 : i32
    %dma_wait3A_214 = tpu.memref_slice %arg6[%dma_wait3A_211, %dma_wait3A_212, %dma_wait3A_213] : memref<2x400x128xf32, #tpu.memory_space<vmem>> -> memref<1x400x128xf32, #tpu.memory_space<vmem>>
    %dma_wait3A_215 = tpu.memref_squeeze %dma_wait3A_214 : memref<1x400x128xf32, #tpu.memory_space<vmem>> -> memref<400x128xf32, #tpu.memory_space<vmem>>
    %dma_wait3A_216 = arith.constant 0 : i32
    %dma_wait3A_217 = arith.constant 0 : i32
    %dma_wait3A_218 = tpu.memref_slice %arg3[%dma_wait3A_216, %dma_wait3A_217] : memref<100000x128xf32, #tpu.memory_space<hbm>> -> memref<400x128xf32, #tpu.memory_space<hbm>>
    %dma_wait3A_219 = arith.constant 0 : i32
    %dma_wait3A_220 = arith.constant 0 : i32
    %dma_wait3A_221 = tpu.memref_slice %arg6[%dma_wait3A_211, %dma_wait3A_219, %dma_wait3A_220] : memref<2x400x128xf32, #tpu.memory_space<vmem>> -> memref<1x400x128xf32, #tpu.memory_space<vmem>>
    %dma_wait3A_222 = tpu.memref_squeeze %dma_wait3A_221 : memref<1x400x128xf32, #tpu.memory_space<vmem>> -> memref<400x128xf32, #tpu.memory_space<vmem>>
    %dma_wait3A_223 = arith.constant 0 : i32
    %dma_wait3A_224 = arith.constant 0 : i32
    %dma_wait3A_225 = tpu.memref_slice %arg3[%dma_wait3A_223, %dma_wait3A_224] : memref<100000x128xf32, #tpu.memory_space<hbm>> -> memref<400x128xf32, #tpu.memory_space<hbm>>
    tpu.wait_dma2 semaphore(%arg10 : memref<!tpu.dma_semaphore, #tpu.memory_space<semaphore_mem>>) src(%dma_wait3A_225 : memref<400x128xf32, #tpu.memory_space<hbm>>) dst(%dma_wait3A_222 : memref<400x128xf32, #tpu.memory_space<vmem>>)
    return
  }
}

</mosaic_0001>

<sc_bundles>
// kernel: kernel.3.cloned.1.call-start
scs
__scs_entry_jumppad:
0x0: {  	(pc) =	sbr.rel $0x88, $3  }
0x1: {  	(tag) =	ssettag $0x0;
	lr =	simm.s32 $0x1  }
0x2: {  	[smem:$0x3F9F] =	sst lr;
	_ =	strace $0xD0000000  }
0x3: {  	_ = 	snop  }
0x4: {  	_ = 	snop  }
0x5: {  	_ = 	snop  }
0x6: {  	_ = 	snop  }
0x7: {  	_ = 	snop  }
__scs_overlays_trampoline_lowered:
0x8: {  	[smem:$0x3FAE] =	sst s0  }
0x9: {  	[smem:$0x3FAF] =	sst s1  }
0xa: {  	[smem:$0x3FB0] =	sst s2  }
0xb: {  	[smem:$0x3FB1] =	sst s3  }
0xc: {  	[smem:$0x3FB2] =	sst s4  }
0xd: {  	[smem:$0x3FB3] =	sst s5  }
0xe: {  	[smem:$0x3FB4] =	sst s6  }
0xf: {  	[smem:$0x3FB5] =	sst s7  }
0x10: {  	[smem:$0x3FB6] =	sst s8  }
0x11: {  	[smem:$0x3FB7] =	sst s9;
	s0 =	simm.s32 @!p0 $0x0  }
0x12: {  	s1 =	sld [smem:$0x3F9D];
	s0 =	simm.s32 @p0 $0x1  }
0x13: {  	[smem:$0x3FB8] =	sst s0;
	s0 =	simm.s32 @!p1 $0x0  }
0x14: {  	s2 =	sld [smem:$0x3F9C];
	s0 =	simm.s32 @p1 $0x1  }
0x15: {  	[smem:$0x3FB9] =	sst s0;
	s0 =	simm.s32 @!p2 $0x0  }
0x16: {  	s3 =	sld [smem:$0x3FDB];
	s0 =	simm.s32 @p2 $0x1  }
0x17: {  	s4 =	simm.s32 $0x1BF5;
	[smem:$0x3FBB] =	sst s0  }
0x18: {  	s0 =	sld [smem:$0x3F9E];
	_ =	swait.ge [sflag:s4], $0x0  }
0x19: {  	s7 =	sld [smem:$0x3F9F]  }
0x1a: {  	s8 =	sadd.s32 $0xFFFFE003, lr  }
0x1b: {  	s9 =	sadd.s32 $0xFFFFFEF7, lr;
	s5 =	simm.s32 $0xFFFFFFFF;
	p2 =	slt.u32 s8, $0xFFFFF086  }
0x1c: {  	p1 =	slt.u32 s9, $0xF7A;
	s5 =	simm.s32 @!p2 $0x0  }
0x1d: {  	s5 =	simm.s32 @p1 $0x1;
	p0 =	seq.s32 s7, s2  }
0x1e: {  	s7 =	smul.u32 @!p0 $0xF7A, s2;
	p2 =	seq.s32 @!p0 s5, $0x0  }
0x1f: {  	s9 =	smul.u32 $0xF7A, s1;
	s8 =	simm.s32 @!p0 $0x1BF5;
	p2 =	por !p2, p0  }
0x20: {  	[sflag:s8] =	ssyncset.s32 @!p0 $0xFFFFF086;
	s6 =	sadd.s32 @!p0 s3, s7;
	s7 =	simm.s32 @!p0 $0x108  }
0x21: {  	s3 =	sadd.s32 s3, s9;
	s6 =	sadd.s32 @!p0 $0x88, s6;
	s7 =	simm.s32 @p2 $0x1082  }
0x22: {  	[simem:s7], [sflag:s8] =	dma.local @!p0 [hbm:s6], $0xF7A  }
0x23: {  	s9 =	sor.u32 $0xD0000000, s2;
	s6 =	simm.s32 $0x108;
	_ =	swait.ge @!p0 [sflag:s8], $0x0  }
0x24: {  	s3 =	sadd.s32 $0x88, s3;
	s6 =	simm.s32 @!p1 $0x1082;
	[sflag:s4] =	ssyncset.s32 $0xFFFFF086  }
0x25: {  	[simem:s6], [sflag:s4] =	dma.local [hbm:s3], $0xF7A  }
0x26: {  	[smem:$0x3F9F] =	sst s1;
	(tag) =	ssettag s2;
	_ =	strace s9  }
0x27: {  	s1 =	sld [smem:$0x3FAF]  }
0x28: {  	s2 =	sld [smem:$0x3FB0]  }
0x29: {  	s4 =	sld [smem:$0x3FB2]  }
0x2a: {  	p0 =	seq.s32 s5, $0x0;
	s5 =	sld [smem:$0x3FB3]  }
0x2b: {  	s6 =	sld [smem:$0x3FB4]  }
0x2c: {  	s7 =	sld [smem:$0x3FB5]  }
0x2d: {  	s3 =	simm.s32 $0x108;
	s8 =	sld [smem:$0x3FB6]  }
0x2e: {  	s3 =	simm.s32 @!p0 $0x1082;
	s9 =	sld [smem:$0x3FB7]  }
0x2f: {  	lr =	sadd.s32 s0, s3;
	s0 =	sld [smem:$0x3FAE]  }
0x30: {  	s3 =	sld [smem:$0x3FB1]  }
0x31: {  	[smem:$0x3FBA] =	sst s10  }
0x32: {  	s10 =	sld [smem:$0x3FB8];
	_ =	sdelay $0x3  }
0x33: {  	p0 =	seq.s32 s10, $0x1;
	s10 =	sld [smem:$0x3FBA];
	_ =	sdelay $0x3  }
0x34: {  	[smem:$0x3FBA] =	sst s10  }
0x35: {  	s10 =	sld [smem:$0x3FB9];
	_ =	sdelay $0x3  }
0x36: {  	p1 =	seq.s32 s10, $0x1;
	s10 =	sld [smem:$0x3FBA];
	_ =	sdelay $0x3  }
0x37: {  	[smem:$0x3FBA] =	sst s10  }
0x38: {  	s10 =	sld [smem:$0x3FBB]  }
0x39: {  	_ = 	snop;
	(pc) =	sbr.ind lr, $3  }
0x3a: {  	_ = 	snop  }
0x3b: {  	_ = 	snop  }
0x3c: {  	p2 =	seq.s32 s10, $0x1;
	s10 =	sld [smem:$0x3FBA]  }
0x3d: {  	_ =	shalt  }
0x3e: {  	_ =	shalt  }
0x3f: {  	_ =	shalt  }
0x40: {  	_ =	shalt  }
0x41: {  	_ =	shalt  }
0x42: {  	_ =	shalt  }
0x43: {  	_ =	shalt  }
0x44: {  	_ =	shalt  }
0x45: {  	_ =	shalt  }
0x46: {  	_ =	shalt  }
0x47: {  	_ =	shalt  }
0x48: {  	_ =	shalt  }
0x49: {  	_ =	shalt  }
0x4a: {  	_ =	shalt  }
0x4b: {  	_ =	shalt  }
0x4c: {  	_ =	shalt  }
0x4d: {  	_ =	shalt  }
0x4e: {  	_ =	shalt  }
0x4f: {  	_ =	shalt  }
0x50: {  	_ =	shalt  }
0x51: {  	_ =	shalt  }
0x52: {  	_ =	shalt  }
0x53: {  	_ =	shalt  }
0x54: {  	_ =	shalt  }
0x55: {  	_ =	shalt  }
0x56: {  	_ =	shalt  }
0x57: {  	_ =	shalt  }
0x58: {  	_ =	shalt  }
0x59: {  	_ =	shalt  }
0x5a: {  	_ =	shalt  }
0x5b: {  	_ =	shalt  }
0x5c: {  	_ =	shalt  }
0x5d: {  	_ =	shalt  }
0x5e: {  	_ =	shalt  }
0x5f: {  	_ =	shalt  }
0x60: {  	_ =	shalt  }
0x61: {  	_ =	shalt  }
0x62: {  	_ =	shalt  }
0x63: {  	_ =	shalt  }
0x64: {  	_ =	shalt  }
0x65: {  	_ =	shalt  }
0x66: {  	_ =	shalt  }
0x67: {  	_ =	shalt  }
0x68: {  	_ =	shalt  }
0x69: {  	_ =	shalt  }
0x6a: {  	_ =	shalt  }
0x6b: {  	_ =	shalt  }
0x6c: {  	_ =	shalt  }
0x6d: {  	_ =	shalt  }
0x6e: {  	_ =	shalt  }
0x6f: {  	_ =	shalt  }
0x70: {  	_ =	shalt  }
0x71: {  	_ =	shalt  }
0x72: {  	_ =	shalt  }
0x73: {  	_ =	shalt  }
0x74: {  	_ =	shalt  }
0x75: {  	_ =	shalt  }
0x76: {  	_ =	shalt  }
0x77: {  	_ =	shalt  }
0x78: {  	_ =	shalt  }
0x79: {  	_ =	shalt  }
0x7a: {  	_ =	shalt  }
0x7b: {  	_ =	shalt  }
0x7c: {  	_ =	shalt  }
0x7d: {  	_ =	shalt  }
0x7e: {  	_ =	shalt  }
0x7f: {  	_ =	shalt  }
0x80: {  	_ =	shalt  }
0x81: {  	_ =	shalt  }
0x82: {  	_ =	shalt  }
0x83: {  	_ =	shalt  }
0x84: {  	_ =	shalt  }
0x85: {  	_ =	shalt  }
0x86: {  	_ =	shalt  }
0x87: {  	_ =	shalt  }
.Lfunc_end0:
.L_simem_size_0:
called_computation_lowered:
.L_overlay_start_0:
0x88: {  	s2 =	sld [smem:$0x3FD9]  }
0x89: {  	s3 =	sld [smem:$0x3FFE];
	_ =	sdelay $0x1  }
0x8a: {  	s1 =	srdreg.scid  }
0x8b: {  	s0 =	sand.u32 $0x1, s1  }
0x8c: {  	s17 =	sshll.u32 s0, $0xA;
	s2 =	sadd.s32 s3, s2  }
0x8d: {  	s2 =	sadd.s32 s2, s17  }
0x8e: {  	[smem:$0x3FC6] =	sst s2  }
0x8f: {  	_ = 	snop  }
0x90: {  	s2 =	sld [smem:$0x3FC8]  }
0x91: {  	s18 =	sld [smem:$0x3FD0];
	(tm) =	ssettm $0x1  }
0x92: {  	s4 =	sld [smem:$0x3FFB];
	_ =	sdelay $0x3  }
0x93: {  	_ =	strace s4  }
0x94: {  	s4 =	sld [smem:$0x3FFC];
	_ =	sdelay $0x3  }
0x95: {  	_ =	strace s4  }
0x96: {  	s4 =	sld [smem:$0x3FFD];
	_ =	sdelay $0x3  }
0x97: {  	_ =	strace s4  }
0x98: {  	_ =	strace $0x8FFFFFFF  }
0x99: {  	s19 =	sld [smem:$0x3FDB];
	_ =	sdelay $0x1  }
0x9a: {  	s5 =	simm.s32 $_scs_section_size  }
0x9b: {  	s6 =	simm.s32 $_size__tile_overlayer_lowered;
	s7 =	simm.s32 $_tile_overlayer_lowered  }
0x9c: {  	s22 =	simm.s32 $0x1BFF;
	s21 =	sshll.u32 s7, $0x1;
	s4 =	sadd.s32 s5, s19  }
0x9d: {  	s8 =	simm.s32 $0x0;
	s20 =	sshll.u32 s6, $0x1;
	s6 =	sadd.s32 s21, s4  }
0x9e: {  	[timem:s8], [sflag:s22] =	dma.local [hbm:s6], s20  }
0x9f: {  	_ =	swait.ge [sflag:s22], s20  }
0xa0: {  	s5 =	ssub.s32 $0x0, s20;
	[sflag:s22] =	ssyncset.done $0x0  }
0xa1: {  	[sflag:s22] =	ssyncadd.s32 s5;
	_ =	sdelay $0x1  }
0xa2: {  	s23 =	simm.s32 $0x1B8B  }
0xa3: {  	_ =	swait.ge [sflag:s23], $0x1  }
0xa4: {  	[sflag:s23] =	ssyncset.done $0x0  }
0xa5: {  	s25 =	simm.s32 $0x1B8E;
	s24 =	sld [smem:$0x3FFE];
	[sflag:s23] =	ssyncadd.s32 $0xFFFFFFFF  }
0xa6: {  	s26 =	simm.s32 $execute0_lowered;
	[smem:$0x3FD2] =	sst s25  }
0xa7: {  	s6 =	sshll.u32 s26, $0x1;
	_ =	strace $0x80000046;
	[dreg:$0x1] =	wrdreg $0xFFFFFFFF  }
0xa8: {  	s28 =	simm.s32 $_size_execute0_lowered;
	s4 =	sadd.s32 s4, s6;
	[dreg:$0x0] =	wrdreg $0x0  }
0xa9: {  	s6 =	sshll.u32 s28, $0x1;
	[dreg:$0x2] =	wrdreg s4  }
0xaa: {  	[dreg:$0x3] =	wrdreg s6  }
0xab: {  	[dreg:$0x4] =	wrdreg $0xC0  }
0xac: {  	_ =	task [dreg:s8], $0x5FFFF  }
0xad: {  	[dreg:$0x1] =	wrdreg $0xFFFFFFFF  }
0xae: {  	[dreg:$0x0] =	wrdreg $0x60  }
0xaf: {  	[dreg:$0x2] =	wrdreg s24  }
0xb0: {  	[dreg:$0x3] =	wrdreg s2  }
0xb1: {  	[dreg:$0x4] =	wrdreg s18  }
0xb2: {  	[dreg:$0x5] =	wrdreg $0x9  }
0xb3: {  	_ =	task.clear_ibuf [dreg:s8], $0x6FFFF;
	_ =	strace $0x90000046  }
0xb4: {  	s29 =	simm.s32 $0x9;
	_ =	strace $0x80000048  }
0xb5: {  	_ =	swait.ge [sflag:s29], $0x1  }
0xb6: {  	[sflag:s29] =	ssyncadd.s32 $0xFFFFFFFF  }
0xb7: {  	_ =	strace $0x90000048  }
0xb8: {  	_ =	sfence  }
0xb9: {  	s30 =	sld [smem:$0x0];
	_ =	sdelay $0x2  }
0xba: {  	s31 =	sshll.u32 s1, $0xD;
	s1 =	sshrl.u32 s1, $0x2  }
0xbb: {  	s3 =	sand.u32 $0x4000, s31;
	s1 =	sadd.s32 s1, s30  }
0xbc: {  	s0 =	sor.u32 s3, s0;
	s1 =	sshll.u32 s1, $0x11  }
0xbd: {  	s0 =	sor.u32 s1, s0  }
0xbe: {  	s0 =	sadd.s32 $0x8F2B, s0  }
0xbf: {  	[sflag:s0] =	ssyncadd.remote.s32 $0x1  }
0xc0: {  	_ =	sfence.sel $0xFFFF  }
0xc1: {  	[dreg:$0x0] =	wrdreg $0xFFFFFFFF;
	(pc) =	sbr.abs _section_cstart, $3  }
0xc2: {  	[dreg:$0x1] =	wrdreg $0xFFFFFFFF  }
0xc3: {  	_ =	task.clear_ibuf [dreg:s8], $0x2FFFF;
	_ =	strace $0x9FFFFFFF  }
0xc4: {  	(tm) =	ssettm $0x7FFFFFFF  }
0xc5: {  	_ =	shalt  }
tec
execute0_lowered:
.L_overlay_start_1:
0x0: {  	(tag) =	ssettag $0x1  }
0x1: {  	s4 =	rddreg [dreg:$0x0]  }
0x2: {  	s2 =	rddreg [dreg:$0x1];
	s1 =	srdreg.scid  }
0x3: {  	s0 =	stileid.u32;
	s8 =	rddreg [dreg:$0x2]  }
0x4: {  	s3 =	simm.s32 $0x0;
	s13 =	simm.s32 $0x6400;
	s14 =	simm.s32 $0x1  }
0x5: {  	s15 =	simm.s32 $0x12C00;
	s16 =	simm.s32 $0x2;
	s17 =	simm.s32 $0x3  }
0x6: {  	s18 =	simm.s32 $0x320;
	s19 =	simm.s32 $0x4;
	s20 =	simm.s32 $0x6270  }
0x7: {  	s6 =	sand.u32 $0x1, s1;
	s5 =	sshll.u32 s0, $0x1;
	s31 =	smul.u32 $0xC8000, s0  }
0x8: {  	s21 =	simm.s32 $0x0;
	s5 =	sor.u32 s6, s5;
	s12 =	smul.u32 $0x64000, s6  }
0x9: {  	s1 =	rddreg [dreg:$0x3];
	s9 =	ssub.s32 $0x2, s6;
	s7 =	smul.u32 $0x6400, s5  }
0xa: {  	[smem:$0x7FF] =	sst s3;
	s10 =	sshrl.u32 s9, $0x1;
	s11 =	smul.u32 $0x320000, s5  }
0xb: {  	_ =	strace $0x80000047;
	s5 =	smul.u32 $0x64000, s5;
	s9 =	ssub.s32 s9, s10  }
0xc: {  	s10 =	sadd.s32 s31, s8;
	s7 =	sshrl.u32 s7, $0x3;
	s30 =	sshrl.u32 s11, $0x3  }
0xd: {  	s5 =	sadd.s32 s8, s5;
	s9 =	smax.u32 s9, $0x1;
	s10 =	sadd.s32 s12, s10  }
0xe: {  	s12 =	simm.s32 $0x190;
	s4 =	sadd.s32 s7, s4;
	s11 =	sadd.s32 s8, s30  }
0xf: {  	s6 =	sadd.s32 $0x1900, s5;
	s10 =	sadd.s32 $0x4B00, s10;
	s4 =	sadd.s32 $0x400, s4  }
0x10: {  	s7 =	sadd.s32 $0x60E00, s11;
	s8 =	sadd.s32 $0x62700, s11;
	s11 =	simm.s32 $0x5  }
.LBB2_1:
0x11: {  	[tilespmem:s3], [sflag:$0x5] =	stream.linear.gather [hbm4b:s4+s3], $0x6400, $0x38;
	[tilespmem:$0x1F400] =	vst v63  }
0x12: {  	_ =	swait.ge [sflag:s11], $0x6400  }
0x13: {  	[sflag:s11] =	ssyncset.done $0x0  }
0x14: {  	[sflag:s11] =	ssyncadd.s32 $0xFFFF9C00  }
0x15: {  	[tilespmem:s13], [sflag:$0x1] =	stream.indirect.gather [hbm4b:s2+s12], $0x80, s3, s12, $0xb8;
	[tilespmem:$0x1F400] =	vst v63  }
0x16: {  	_ =	swait.ge [sflag:s14], $0xC800  }
0x17: {  	[sflag:s14] =	ssyncset.done $0x0  }
0x18: {  	[sflag:s14] =	ssyncadd.s32 $0xFFFF3800  }
0x19: {  	[hbm4b:s5+s3] =	stream.linear.scatter [tilespmem:s13], [sflag:$0x3], $0xC800, $0x38;
	[tilespmem:$0x1F400] =	vst v63  }
0x1a: {  	_ = 	snop  }
0x1b: {  	[tilespmem:s15], [sflag:$0x2] =	stream.indirect.gather [hbm4b:s2+s12], $0x80, s12, s12, $0xb8;
	[tilespmem:$0x1F400] =	vst v63  }
0x1c: {  	_ =	swait.ge [sflag:s16], $0xC800  }
0x1d: {  	[sflag:s16] =	ssyncset.done $0x0  }
0x1e: {  	[sflag:s16] =	ssyncadd.s32 $0xFFFF3800  }
0x1f: {  	[hbm4b:s6+s3] =	stream.linear.scatter [tilespmem:s15], [sflag:$0x4], $0xC800, $0x38;
	[tilespmem:$0x1F400] =	vst v63  }
0x20: {  	_ =	swait.ge [sflag:s17], $0xC800  }
0x21: {  	[sflag:s17] =	ssyncset.done $0x0  }
0x22: {  	[sflag:s17] =	ssyncadd.s32 $0xFFFF3800  }
0x23: {  	[tilespmem:s13], [sflag:$0x1] =	stream.indirect.gather [hbm4b:s2+s12], $0x80, s18, s12, $0xb8;
	[tilespmem:$0x1F400] =	vst v63  }
0x24: {  	_ =	swait.ge [sflag:s14], $0xC800  }
0x25: {  	[sflag:s14] =	ssyncset.done $0x0  }
0x26: {  	s22 =	sadd.s32 $0xFFFFE700, s10;
	[sflag:s14] =	ssyncadd.s32 $0xFFFF3800  }
0x27: {  	[hbm4b:s22+s3] =	stream.linear.scatter [tilespmem:s13], [sflag:$0x3], $0xC800, $0x38;
	[tilespmem:$0x1F400] =	vst v63  }
0x28: {  	_ =	swait.ge [sflag:s19], $0xC800  }
0x29: {  	[sflag:s19] =	ssyncset.done $0x0  }
0x2a: {  	s31 =	simm.s32 $0x4B0;
	[sflag:s19] =	ssyncadd.s32 $0xFFFF3800  }
0x2b: {  	[tilespmem:s15], [sflag:$0x2] =	stream.indirect.gather [hbm4b:s2+s12], $0x80, s31, s12, $0xb8;
	[tilespmem:$0x1F400] =	vst v63  }
0x2c: {  	_ =	swait.ge [sflag:s16], $0xC800  }
0x2d: {  	[sflag:s16] =	ssyncset.done $0x0  }
0x2e: {  	[sflag:s16] =	ssyncadd.s32 $0xFFFF3800  }
0x2f: {  	[hbm4b:s10+s3] =	stream.linear.scatter [tilespmem:s15], [sflag:$0x4], $0xC800, $0x38;
	[tilespmem:$0x1F400] =	vst v63  }
0x30: {  	_ =	swait.ge [sflag:s17], $0xC800  }
0x31: {  	s24 =	simm.s32 $0x640;
	[sflag:s17] =	ssyncset.done $0x0  }
0x32: {  	s23 =	sadd.s32 $0x3200, s10;
	s22 =	simm.s32 $0xC80;
	[sflag:s17] =	ssyncadd.s32 $0xFFFF3800  }
.LBB2_2:
0x33: {  	[tilespmem:s13], [sflag:$0x1] =	stream.indirect.gather [hbm4b:s2+s12], $0x80, s24, s12, $0xb8;
	[tilespmem:$0x1F400] =	vst v63  }
0x34: {  	s24 =	smov.u32 s22  }
0x35: {  	p0 =	sne.s32 s22, $0x16A80;
	s22 =	sadd.s32 $0xC80, s22;
	_ =	swait.ge [sflag:s14], $0xC800  }
0x36: {  	[sflag:s14] =	ssyncset.done $0x0  }
0x37: {  	s25 =	sadd.s32 $0xFFFFE700, s23;
	[sflag:s14] =	ssyncadd.s32 $0xFFFF3800  }
0x38: {  	[hbm4b:s25+s3] =	stream.linear.scatter [tilespmem:s13], [sflag:$0x3], $0xC800, $0x38;
	[tilespmem:$0x1F400] =	vst v63  }
0x39: {  	_ =	swait.ge [sflag:s19], $0xC800  }
0x3a: {  	s24 =	sshra.s32 s24, $0x2;
	[sflag:s19] =	ssyncset.done $0x0  }
0x3b: {  	s25 =	sadd.s32 $0x4B0, s24;
	[sflag:s19] =	ssyncadd.s32 $0xFFFF3800  }
0x3c: {  	[tilespmem:s15], [sflag:$0x2] =	stream.indirect.gather [hbm4b:s2+s12], $0x80, s25, s12, $0xb8;
	[tilespmem:$0x1F400] =	vst v63  }
0x3d: {  	_ =	swait.ge [sflag:s16], $0xC800  }
0x3e: {  	[sflag:s16] =	ssyncset.done $0x0  }
.Ltmp0:
0x3f: {  	[sflag:s16] =	ssyncadd.s32 $0xFFFF3800;
	(pc) =	sbr.rel @p0 .LBB2_2-.Ltmp0, $4  }
0x40: {  	[hbm4b:s23+s3] =	stream.linear.scatter [tilespmem:s15], [sflag:$0x4], $0xC800, $0x38;
	[tilespmem:$0x1F400] =	vst v63  }
0x41: {  	_ =	swait.ge [sflag:s17], $0xC800  }
0x42: {  	[sflag:s17] =	ssyncset.done $0x0  }
0x43: {  	s24 =	sadd.s32 $0x640, s24;
	s23 =	sadd.s32 $0x3200, s23;
	[sflag:s17] =	ssyncadd.s32 $0xFFFF3800  }
0x44: {  	[tilespmem:s13], [sflag:$0x1] =	stream.indirect.gather [hbm4b:s2+s12], $0x80, s24, s12, $0xb8;
	[tilespmem:$0x1F400] =	vst v63  }
0x45: {  	_ =	swait.ge [sflag:s14], $0xC800  }
0x46: {  	[sflag:s14] =	ssyncset.done $0x0  }
0x47: {  	[sflag:s14] =	ssyncadd.s32 $0xFFFF3800  }
0x48: {  	[hbm4b:s7+s3] =	stream.linear.scatter [tilespmem:s13], [sflag:$0x3], $0xC800, $0x38;
	[tilespmem:$0x1F400] =	vst v63  }
0x49: {  	_ =	swait.ge [sflag:s19], $0xC800  }
0x4a: {  	[sflag:s19] =	ssyncset.done $0x0  }
0x4b: {  	[sflag:s19] =	ssyncadd.s32 $0xFFFF3800  }
0x4c: {  	[tilespmem:s15], [sflag:$0x2] =	stream.indirect.gather [hbm4b:s2+s12], $0x80, s20, s12, $0xb8;
	[tilespmem:$0x1F400] =	vst v63  }
0x4d: {  	_ =	swait.ge [sflag:s16], $0xC800  }
0x4e: {  	[sflag:s16] =	ssyncset.done $0x0  }
0x4f: {  	s21 =	sadd.s32 $0x1, s21;
	[sflag:s16] =	ssyncadd.s32 $0xFFFF3800  }
0x50: {  	[hbm4b:s8+s3] =	stream.linear.scatter [tilespmem:s15], [sflag:$0x4], $0xC800, $0x38;
	[tilespmem:$0x1F400] =	vst v63  }
0x51: {  	p0 =	sne.s32 s21, s9;
	_ =	swait.ge [sflag:s17], $0xC800  }
.Ltmp1:
0x52: {  	[sflag:s17] =	ssyncset.done $0x0;
	(pc) =	sbr.rel @p0 .LBB2_1-.Ltmp1, $4  }
0x53: {  	[sflag:s17] =	ssyncadd.s32 $0xFFFF3800  }
0x54: {  	_ =	swait.ge [sflag:s19], $0xC800  }
0x55: {  	[sflag:s19] =	ssyncset.done $0x0  }
0x56: {  	[sflag:s19] =	ssyncadd.s32 $0xFFFF3800  }
0x57: {  	_ =	sfence.sel $0x180000  }
0x58: {  	[bflag:$0x0] =	sbarrier.arrive $0xFFFF  }
0x59: {  	p0 =	sne.s32 s0, $0x0;
	_ =	strace $0x90000047  }
0x5a: {  	s0 =	sadd.s32 @!p0 $0x100000, s1;
	[bflag:$0x2] =	sbarrier.arrive $0xFFFF  }
0x5b: {  	[sflag:s0] =	ssyncadd.tile.s32 @!p0 $0x1;
	_ =	shalt  }
.Lfunc_end2:
_tile_overlayer_lowered:
.L_overlay_start_2:
0x5c: {  	(tag) =	ssettag $0x2  }
0x5d: {  	s0 =	rddreg [dreg:$0x0];
	s2 =	stileid.u32  }
0x5e: {  	s1 =	rddreg [dreg:$0x1];
	p0 =	sne.s32 s2, $0x0  }
0x5f: {  	s3 =	rddreg [dreg:$0x2];
	[bflag:$0x3] =	sbarrier.arrive $0xFFFF;
	s2 =	simm.s32 @!p0 $0x1C05  }
0x60: {  	[timem:s3], [sflag:s2] =	dma.local @!p0 [hbm:s0], s1  }
0x61: {  	s0 =	simm.s32 @!p0 $0x5  }
0x62: {  	_ =	swait.ge @!p0 [sflag:s0], s1  }
0x63: {  	s1 =	ssub.s32 @!p0 $0x0, s1;
	[sflag:s0] =	ssyncset.done @!p0 $0x0  }
0x64: {  	[sflag:s0] =	ssyncadd.s32 @!p0 s1  }
0x65: {  	[bflag:$0x3] =	sbarrier.arrive $0xFFFF  }
0x66: {  	_ =	shalt  }

</sc_bundles>
